<compile_context>
chip_gen: v7x
topology: tpu7x:2x2x1
jax: 0.10.2.dev20260603
libtpu: 0.0.44.dev20260713+nightly
codegen_flags: <defaults>
</compile_context>

<pallas_src>
import functools

import jax
import jax.numpy as jnp
from jax import lax
from jax.experimental import pallas as pl
from jax.experimental.pallas import tpu as pltpu
from jax.experimental.pallas import tpu_sc as plsc

G = 2
K = 1024
D = 256
GD = D // G
DIN = 768
B = 2
T = 512
BT = B * T

NW = 32
PPW = (G * BT) // NW

TB = 256
NB = BT // TB
IR = BT // 128


def _tc_body(hs_ref, w_ref, b_ref, cv_ref, dist_ref, enc_ref, idxoff_ref,
             ppl_ref, cnt_ref):
    i = pl.program_id(0)
    h = lax.dot_general(hs_ref[...], w_ref[...], (((1,), (0,)), ((), ())),
                        preferred_element_type=jnp.float32)
    h = h + b_ref[...][None, :]
    iota_k = lax.broadcasted_iota(jnp.int32, (TB, K), 1)

    @pl.when(i == 0)
    def _():
        cnt_ref[...] = jnp.zeros((G, K), jnp.float32)

    for g in range(G):
        hg = h[:, g * GD:(g + 1) * GD]
        cg = cv_ref[g]
        cross = lax.dot_general(hg, cg, (((1,), (1,)), ((), ())),
                                precision=lax.Precision.HIGHEST,
                                preferred_element_type=jnp.float32)
        hn = jnp.sum(hg * hg, axis=1, keepdims=True)
        cn = jnp.sum(cg * cg, axis=1)[None, :]
        dist = hn - 2.0 * cross + cn
        dist_ref[g] = dist
        dmin = jnp.min(dist, axis=1, keepdims=True)
        idx = jnp.min(jnp.where(dist == dmin, iota_k, jnp.int32(2 ** 30)),
                      axis=1)
        idxoff_ref[pl.ds(g * IR + i * (TB // 128), TB // 128), :] = (
            (idx + g * K).reshape(TB // 128, 128))
        onehot = (iota_k == idx[:, None]).astype(jnp.float32)
        enc_ref[g] = onehot
        cnt_ref[g] = cnt_ref[g] + jnp.sum(onehot, axis=0)

    @pl.when(i == NB - 1)
    def _():
        ent = []
        for g in range(G):
            p = jnp.clip(cnt_ref[g] * (1.0 / BT), 1e-10, 1.0)
            ent.append(jnp.exp(-jnp.sum(p * jnp.log(p + 1e-10))))
        ppl_ref[...] = (0.5 * (ent[0] + ent[1])).reshape(1, 1)


_tc_call = pl.pallas_call(
    _tc_body,
    grid=(NB,),
    in_specs=[
        pl.BlockSpec((TB, DIN), lambda i: (i, 0)),
        pl.BlockSpec((DIN, D), lambda i: (0, 0)),
        pl.BlockSpec((D,), lambda i: (0,)),
        pl.BlockSpec((G, K, GD), lambda i: (0, 0, 0)),
    ],
    out_specs=[
        pl.BlockSpec((G, TB, K), lambda i: (0, i, 0)),
        pl.BlockSpec((G, TB, K), lambda i: (0, i, 0)),
        pl.BlockSpec((G * IR, 128), lambda i: (0, 0)),
        pl.BlockSpec((1, 1), lambda i: (0, 0)),
    ],
    scratch_shapes=[pltpu.VMEM((G, K), jnp.float32)],
    out_shape=[
        jax.ShapeDtypeStruct((G, BT, K), jnp.float32),
        jax.ShapeDtypeStruct((G, BT, K), jnp.float32),
        jax.ShapeDtypeStruct((G * IR, 128), jnp.int32),
        jax.ShapeDtypeStruct((1, 1), jnp.float32),
    ],
)


def _sc_body(idxoff_hbm, cv_hbm, quant_hbm, idxoff_v, rows_v, sem):
    wid = lax.axis_index("c") * 16 + lax.axis_index("s")
    base = wid * PPW
    g = wid // 16
    b = (wid % 16) // 8
    t0 = (wid % 8) * PPW
    pltpu.sync_copy(idxoff_hbm.at[pl.ds(base, PPW)], idxoff_v)
    pltpu.async_copy(cv_hbm.at[idxoff_v], rows_v, sem).wait()
    pltpu.sync_copy(rows_v,
                    quant_hbm.at[b, pl.ds(t0, PPW), pl.ds(g * GD, GD)])


_sc_call = functools.partial(
    pl.kernel,
    mesh=plsc.VectorSubcoreMesh(core_axis_name="c", subcore_axis_name="s"),
    out_type=jax.ShapeDtypeStruct((B, T, D), jnp.float32),
    scratch_types=[
        pltpu.VMEM((PPW,), jnp.int32),
        pltpu.VMEM((PPW, GD), jnp.float32),
        pltpu.SemaphoreType.DMA,
    ],
)(_sc_body)


def kernel(hidden_states, W, b, codevectors):
    hs2 = hidden_states.reshape(BT, DIN)
    cv2 = codevectors.reshape(G * K, GD)
    dist, enc, idxoff, ppl = _tc_call(hs2, W, b, codevectors)
    quantized = _sc_call(idxoff.reshape(G * BT), cv2)
    distances = dist.reshape(G, B, T, K)
    encodings = enc.reshape(G, B, T, K)
    return (quantized, encodings, distances, ppl[0, 0])

# --- scband reference (transcript-rebuilt; emitter-appended) ---
"""Pipeline reference for scband-wav2-vec2-quantizer-86681029968651 (READ-ONLY COPY).

The authoritative reference and input builder live on the scoring server;
editing this copy changes nothing except your own understanding.
"""

import jax, jax.numpy as jnp
import numpy as np

G = 2          # num_codevector_groups
K = 1024       # num_codevectors_per_group
D = 256        # codevector_dim
GD = D // G    # group dim = 128
DIN = 768      # input hidden dim
B = 2
T = 512


def setup_inputs(seed: int = 0) -> dict:
    key = jax.random.key(seed)
    k1, k2, k3 = jax.random.split(key, 3)
    hidden_states = jax.random.normal(k1, (B, T, DIN), dtype=jnp.float32)
    W = jax.random.normal(k2, (DIN, D), dtype=jnp.float32) * 0.02
    b = jnp.zeros((D,), dtype=jnp.float32)
    codevectors = jax.random.normal(k3, (G, K, GD), dtype=jnp.float32)
    return {"hidden_states": hidden_states, "W": W, "b": b, "codevectors": codevectors}


def reference(hidden_states, W, b, codevectors):
    Bq, Tq = hidden_states.shape[0], hidden_states.shape[1]
    # projection Dense(codevector_dim)
    h = hidden_states @ W + b
    h = h.reshape(Bq, Tq, G, GD)
    distances = []
    encodings = []
    quantized_features = []
    for i in range(G):
        group_hidden = h[:, :, i, :]                 # [B, T, GD]
        group_vectors = codevectors[i]               # [K, GD]
        expanded_hidden = group_hidden[:, :, None, :]        # [B, T, 1, GD]
        expanded_vectors = group_vectors[None, None, :, :]   # [1, 1, K, GD]
        dist = jnp.sum(jnp.square(expanded_hidden - expanded_vectors), axis=-1)  # [B, T, K]
        distances.append(dist)
        indices = jnp.argmin(dist, axis=-1)          # [B, T]
        encoding = jax.nn.one_hot(indices, K, dtype=jnp.float32)  # [B, T, K]
        encodings.append(encoding)
        quantized = encoding @ group_vectors         # [B, T, GD]
        quantized_features.append(quantized)
    distances = jnp.stack(distances, axis=0)         # [G, B, T, K]
    encodings = jnp.stack(encodings, axis=0)         # [G, B, T, K]
    quantized_features = jnp.concatenate(quantized_features, axis=-1)  # [B, T, D]
    avg_probs = jnp.mean(encodings, axis=(1, 2))     # [G, K]
    avg_probs = jnp.clip(avg_probs, 1e-10, 1.0)
    perplexity = jnp.exp(-jnp.sum(avg_probs * jnp.log(avg_probs + 1e-10), axis=-1))
    perplexity = jnp.mean(perplexity)
    return (quantized_features, encodings, distances, perplexity)

if __name__ == "__main__":
    import jax
    _d = setup_inputs()
    print(jax.jit(kernel)(*tuple(_d.values())))

</pallas_src>

<mosaic_0001>
#map = affine_map<(d0, d1) -> (0)>
#map1 = affine_map<(d0, d1) -> (0, 0)>
#map2 = affine_map<(d0, d1) -> (0, 0, 0)>
module attributes {stable_mosaic.version = 14 : i64} {
  func.func @_sc_body(%arg0: i32, %arg1: i32, %arg2: memref<2048xi32, #tpu.memory_space<hbm>>, %arg3: memref<2048x128xf32, #tpu.memory_space<hbm>>, %arg4: memref<2x512x256xf32, #tpu.memory_space<hbm>>, %arg5: memref<64xi32, #tpu.memory_space<vmem>>, %arg6: memref<64x128xf32, #tpu.memory_space<vmem>>, %arg7: memref<!tpu.dma_semaphore, #tpu.memory_space<semaphore_mem>>) attributes {dimension_semantics = [#tpu.dimension_semantics<core_parallel>, #tpu.dimension_semantics<subcore_parallel>], iteration_bounds = array<i64: 2, 16>, scalar_prefetch = 0 : i64, scratch_operands = 3 : i64, tpu.core_type = #tpu.core_type<sc_vector_subcore>, window_params = [{transform_indices = #map}, {transform_indices = #map1}, {transform_indices = #map2}]} {
    %mul3A = arith.constant 16 : i32
    %mul3A_0 = arith.muli %arg0, %mul3A : i32
    %add3A = arith.addi %mul3A_0, %arg1 : i32
    %mul3A_1 = arith.constant 64 : i32
    %mul3A_2 = arith.muli %add3A, %mul3A_1 : i32
    %jit3A = arith.constant 16 : i32
    %div3A = arith.divsi %add3A, %jit3A : i32
    %sign3A = arith.constant 0 : i32
    %sign3A_3 = arith.cmpi sgt, %add3A, %sign3A : i32
    %sign3A_4 = arith.extui %sign3A_3 : i1 to i32
    %sign3A_5 = arith.constant 0 : i32
    %sign3A_6 = arith.cmpi slt, %add3A, %sign3A_5 : i32
    %sign3A_7 = arith.extui %sign3A_6 : i1 to i32
    %sign3A_8 = arith.subi %sign3A_4, %sign3A_7 : i32
    %sign3A_9 = arith.constant 0 : i32
    %sign3A_10 = arith.cmpi sgt, %jit3A, %sign3A_9 : i32
    %sign3A_11 = arith.extui %sign3A_10 : i1 to i32
    %sign3A_12 = arith.constant 0 : i32
    %sign3A_13 = arith.cmpi slt, %jit3A, %sign3A_12 : i32
    %sign3A_14 = arith.extui %sign3A_13 : i1 to i32
    %sign3A_15 = arith.subi %sign3A_11, %sign3A_14 : i32
    %ne3A = arith.cmpi ne, %sign3A_8, %sign3A_15 : i32
    %rem3A = arith.remsi %add3A, %jit3A : i32
    %ne3A_16 = arith.constant 0 : i32
    %ne3A_17 = arith.cmpi ne, %rem3A, %ne3A_16 : i32
    %and3A = arith.andi %ne3A, %ne3A_17 : i1
    %sub3A = arith.constant 1 : i32
    %sub3A_18 = arith.subi %div3A, %sub3A : i32
    %select_n3A = arith.select %and3A, %sub3A_18, %div3A : i32
    %jit3A_19 = arith.constant 16 : i32
    %eq3A = arith.constant 0 : i32
    %eq3A_20 = arith.cmpi eq, %jit3A_19, %eq3A : i32
    %jit3A_21 = arith.constant 1 : i32
    %select_n3A_22 = arith.select %eq3A_20, %jit3A_21, %jit3A_19 : i32
    %rem3A_23 = arith.remsi %add3A, %select_n3A_22 : i32
    %ne3A_24 = arith.constant 0 : i32
    %ne3A_25 = arith.cmpi ne, %rem3A_23, %ne3A_24 : i32
    %lt3A = arith.constant 0 : i32
    %lt3A_26 = arith.cmpi slt, %rem3A_23, %lt3A : i32
    %lt3A_27 = arith.constant 0 : i32
    %lt3A_28 = arith.cmpi slt, %select_n3A_22, %lt3A_27 : i32
    %ne3A_29 = arith.xori %lt3A_26, %lt3A_28 : i1
    %and3A_30 = arith.andi %ne3A_29, %ne3A_25 : i1
    %add3A_31 = arith.addi %rem3A_23, %select_n3A_22 : i32
    %select_n3A_32 = arith.select %and3A_30, %add3A_31, %rem3A_23 : i32
    %jit3A_33 = arith.constant 8 : i32
    %div3A_34 = arith.divsi %select_n3A_32, %jit3A_33 : i32
    %sign3A_35 = arith.constant 0 : i32
    %sign3A_36 = arith.cmpi sgt, %select_n3A_32, %sign3A_35 : i32
    %sign3A_37 = arith.extui %sign3A_36 : i1 to i32
    %sign3A_38 = arith.constant 0 : i32
    %sign3A_39 = arith.cmpi slt, %select_n3A_32, %sign3A_38 : i32
    %sign3A_40 = arith.extui %sign3A_39 : i1 to i32
    %sign3A_41 = arith.subi %sign3A_37, %sign3A_40 : i32
    %sign3A_42 = arith.constant 0 : i32
    %sign3A_43 = arith.cmpi sgt, %jit3A_33, %sign3A_42 : i32
    %sign3A_44 = arith.extui %sign3A_43 : i1 to i32
    %sign3A_45 = arith.constant 0 : i32
    %sign3A_46 = arith.cmpi slt, %jit3A_33, %sign3A_45 : i32
    %sign3A_47 = arith.extui %sign3A_46 : i1 to i32
    %sign3A_48 = arith.subi %sign3A_44, %sign3A_47 : i32
    %ne3A_49 = arith.cmpi ne, %sign3A_41, %sign3A_48 : i32
    %rem3A_50 = arith.remsi %select_n3A_32, %jit3A_33 : i32
    %ne3A_51 = arith.constant 0 : i32
    %ne3A_52 = arith.cmpi ne, %rem3A_50, %ne3A_51 : i32
    %and3A_53 = arith.andi %ne3A_49, %ne3A_52 : i1
    %sub3A_54 = arith.constant 1 : i32
    %sub3A_55 = arith.subi %div3A_34, %sub3A_54 : i32
    %select_n3A_56 = arith.select %and3A_53, %sub3A_55, %div3A_34 : i32
    %jit3A_57 = arith.constant 8 : i32
    %eq3A_58 = arith.constant 0 : i32
    %eq3A_59 = arith.cmpi eq, %jit3A_57, %eq3A_58 : i32
    %jit3A_60 = arith.constant 1 : i32
    %select_n3A_61 = arith.select %eq3A_59, %jit3A_60, %jit3A_57 : i32
    %rem3A_62 = arith.remsi %add3A, %select_n3A_61 : i32
    %ne3A_63 = arith.constant 0 : i32
    %ne3A_64 = arith.cmpi ne, %rem3A_62, %ne3A_63 : i32
    %lt3A_65 = arith.constant 0 : i32
    %lt3A_66 = arith.cmpi slt, %rem3A_62, %lt3A_65 : i32
    %lt3A_67 = arith.constant 0 : i32
    %lt3A_68 = arith.cmpi slt, %select_n3A_61, %lt3A_67 : i32
    %ne3A_69 = arith.xori %lt3A_66, %lt3A_68 : i1
    %and3A_70 = arith.andi %ne3A_69, %ne3A_64 : i1
    %add3A_71 = arith.addi %rem3A_62, %select_n3A_61 : i32
    %select_n3A_72 = arith.select %and3A_70, %add3A_71, %rem3A_62 : i32
    %mul3A_73 = arith.constant 64 : i32
    %mul3A_74 = arith.muli %select_n3A_72, %mul3A_73 : i32
    "tpu.region"() ({
      %run_scoped3A = tpu.sem_alloc : memref<!tpu.dma_semaphore, #tpu.memory_space<semaphore_mem>>
      %dma_start3A_81 = tpu.memref_slice %arg2[%mul3A_2] : memref<2048xi32, #tpu.memory_space<hbm>> -> memref<64xi32, #tpu.memory_space<hbm>>
      %dma_start3A_82 = tpu.memref_slice %arg2[%mul3A_2] : memref<2048xi32, #tpu.memory_space<hbm>> -> memref<64xi32, #tpu.memory_space<hbm>>
      tpu.enqueue_dma source(%dma_start3A_82 : memref<64xi32, #tpu.memory_space<hbm>>) target(%arg5 : memref<64xi32, #tpu.memory_space<vmem>>) target_semaphore(%run_scoped3A : memref<!tpu.dma_semaphore, #tpu.memory_space<semaphore_mem>>)
      %dma_wait3A_83 = tpu.memref_slice %arg2[%mul3A_2] : memref<2048xi32, #tpu.memory_space<hbm>> -> memref<64xi32, #tpu.memory_space<hbm>>
      %dma_wait3A_84 = tpu.memref_slice %arg2[%mul3A_2] : memref<2048xi32, #tpu.memory_space<hbm>> -> memref<64xi32, #tpu.memory_space<hbm>>
      tpu.wait_dma2 semaphore(%run_scoped3A : memref<!tpu.dma_semaphore, #tpu.memory_space<semaphore_mem>>) src(%dma_wait3A_84 : memref<64xi32, #tpu.memory_space<hbm>>) dst(%arg5 : memref<64xi32, #tpu.memory_space<vmem>>)
      tpu.yield
    }) : () -> ()
    %dma_start3A = arith.constant 0 : i32
    %dma_start3A_75 = arith.constant 0 : i32
    %dma_start3A_76 = tpu.memref_slice %arg3[%dma_start3A, %dma_start3A_75] : memref<2048x128xf32, #tpu.memory_space<hbm>> -> memref<2048x128xf32, #tpu.memory_space<hbm>>
    tpu.enqueue_indirect_dma source(%dma_start3A_76 : memref<2048x128xf32, #tpu.memory_space<hbm>>) target(%arg6 : memref<64x128xf32, #tpu.memory_space<vmem>>) offsets(%arg5 : memref<64xi32, #tpu.memory_space<vmem>>) semaphore(%arg7 : memref<!tpu.dma_semaphore, #tpu.memory_space<semaphore_mem>>)
    %dma_wait3A = arith.constant 0 : i32
    %dma_wait3A_77 = arith.constant 0 : i32
    %dma_wait3A_78 = tpu.memref_slice %arg3[%dma_wait3A, %dma_wait3A_77] : memref<2048x128xf32, #tpu.memory_space<hbm>> -> memref<2048x128xf32, #tpu.memory_space<hbm>>
    tpu.wait_indirect_dma semaphore(%arg7 : memref<!tpu.dma_semaphore, #tpu.memory_space<semaphore_mem>>) src(%dma_wait3A_78 : memref<2048x128xf32, #tpu.memory_space<hbm>>) dst(%arg6 : memref<64x128xf32, #tpu.memory_space<vmem>>)
    %mul3A_79 = arith.constant 128 : i32
    %mul3A_80 = arith.muli %select_n3A, %mul3A_79 : i32
    "tpu.region"() ({
      %run_scoped3A = tpu.sem_alloc : memref<!tpu.dma_semaphore, #tpu.memory_space<semaphore_mem>>
      %dma_start3A_81 = tpu.memref_slice %arg4[%select_n3A_56, %mul3A_74, %mul3A_80] : memref<2x512x256xf32, #tpu.memory_space<hbm>> -> memref<1x64x128xf32, #tpu.memory_space<hbm>>
      %dma_start3A_82 = tpu.memref_squeeze %dma_start3A_81 : memref<1x64x128xf32, #tpu.memory_space<hbm>> -> memref<64x128xf32, #tpu.memory_space<hbm>>
      %dma_start3A_83 = tpu.memref_slice %arg4[%select_n3A_56, %mul3A_74, %mul3A_80] : memref<2x512x256xf32, #tpu.memory_space<hbm>> -> memref<1x64x128xf32, #tpu.memory_space<hbm>>
      %dma_start3A_84 = tpu.memref_squeeze %dma_start3A_83 : memref<1x64x128xf32, #tpu.memory_space<hbm>> -> memref<64x128xf32, #tpu.memory_space<hbm>>
      tpu.enqueue_dma source(%arg6 : memref<64x128xf32, #tpu.memory_space<vmem>>) target(%dma_start3A_84 : memref<64x128xf32, #tpu.memory_space<hbm>>) target_semaphore(%run_scoped3A : memref<!tpu.dma_semaphore, #tpu.memory_space<semaphore_mem>>)
      %dma_wait3A_85 = tpu.memref_slice %arg4[%select_n3A_56, %mul3A_74, %mul3A_80] : memref<2x512x256xf32, #tpu.memory_space<hbm>> -> memref<1x64x128xf32, #tpu.memory_space<hbm>>
      %dma_wait3A_86 = tpu.memref_squeeze %dma_wait3A_85 : memref<1x64x128xf32, #tpu.memory_space<hbm>> -> memref<64x128xf32, #tpu.memory_space<hbm>>
      %dma_wait3A_87 = tpu.memref_slice %arg4[%select_n3A_56, %mul3A_74, %mul3A_80] : memref<2x512x256xf32, #tpu.memory_space<hbm>> -> memref<1x64x128xf32, #tpu.memory_space<hbm>>
      %dma_wait3A_88 = tpu.memref_squeeze %dma_wait3A_87 : memref<1x64x128xf32, #tpu.memory_space<hbm>> -> memref<64x128xf32, #tpu.memory_space<hbm>>
      tpu.wait_dma2 semaphore(%run_scoped3A : memref<!tpu.dma_semaphore, #tpu.memory_space<semaphore_mem>>) src(%arg6 : memref<64x128xf32, #tpu.memory_space<vmem>>) dst(%dma_wait3A_88 : memref<64x128xf32, #tpu.memory_space<hbm>>)
      tpu.yield
    }) : () -> ()
    return
  }
}

module attributes {stable_mosaic.version = 14 : i64} {
  func.func @_tc_body(%arg0: i32, %arg1: memref<256x768xf32, #tpu.memory_space<vmem>>, %arg2: memref<768x256xf32, #tpu.memory_space<vmem>>, %arg3: memref<256xf32, #tpu.memory_space<vmem>>, %arg4: memref<2x1024x128xf32, #tpu.memory_space<vmem>>, %arg5: memref<2x256x1024xf32, #tpu.memory_space<vmem>>, %arg6: memref<2x256x1024xf32, #tpu.memory_space<vmem>>, %arg7: memref<16x128xi32, #tpu.memory_space<vmem>>, %arg8: memref<1x1xf32, #tpu.memory_space<vmem>>, %arg9: memref<2x1024xf32, #tpu.memory_space<vmem>>) attributes {dimension_semantics = [#tpu.dimension_semantics<arbitrary>], iteration_bounds = array<i64: 4>, scalar_prefetch = 0 : i64, scratch_operands = 1 : i64, tpu.core_type = #tpu.core_type<tc>, window_params = [{transform_indices = @transform_0, window_bounds = array<i64: 256, 768>}, {pipeline_mode = #tpu.pipeline_mode<synchronous>, transform_indices = @transform_1, window_bounds = array<i64: 768, 256>}, {pipeline_mode = #tpu.pipeline_mode<synchronous>, transform_indices = @transform_2, window_bounds = array<i64: 256>}, {pipeline_mode = #tpu.pipeline_mode<synchronous>, transform_indices = @transform_3, window_bounds = array<i64: 2, 1024, 128>}, {transform_indices = @transform_4, window_bounds = array<i64: 2, 256, 1024>}, {transform_indices = @transform_5, window_bounds = array<i64: 2, 256, 1024>}, {pipeline_mode = #tpu.pipeline_mode<synchronous>, transform_indices = @transform_6, window_bounds = array<i64: 16, 128>}, {pipeline_mode = #tpu.pipeline_mode<synchronous>, transform_indices = @transform_7, window_bounds = array<i64: 1, 1>}]} {
    %get3A = arith.constant 0 : index
    %get3A_0 = arith.constant 0 : index
    %get3A_1 = vector.load %arg1[%get3A, %get3A_0] : memref<256x768xf32, #tpu.memory_space<vmem>>, vector<256x768xf32>
    %get3A_2 = arith.constant 0 : index
    %get3A_3 = arith.constant 0 : index
    %get3A_4 = vector.load %arg2[%get3A_2, %get3A_3] : memref<768x256xf32, #tpu.memory_space<vmem>>, vector<768x256xf32>
    %dot_general3A = arith.constant dense<0.000000e+00> : vector<256x256xf32>
    %dot_general3A_5 = tpu.matmul %get3A_1, %get3A_4, %dot_general3A {dimension_numbers = #tpu.dot_dimension_numbers<[1], [0], [0], [1], [0, 0, 1, 1], [], []>, transpose_lhs_hint = false} : vector<256x768xf32>, vector<768x256xf32>, vector<256x256xf32> -> vector<256x256xf32>
    %get3A_6 = arith.constant 0 : index
    %get3A_7 = vector.load %arg3[%get3A_6] : memref<256xf32, #tpu.memory_space<vmem>>, vector<256xf32>
    %broadcast_in_dim3A = vector.shape_cast %get3A_7 : vector<256xf32> to vector<1x256xf32>
    %add3A = vector.broadcast %broadcast_in_dim3A : vector<1x256xf32> to vector<256x256xf32>
    %add3A_8 = arith.addf %dot_general3A_5, %add3A : vector<256x256xf32>
    %iota3A = tpu.iota {dimensions = array<i32: 1>} : vector<256x1024xi32>
    %eq3A = arith.constant 0 : i32
    %eq3A_9 = arith.cmpi eq, %arg0, %eq3A : i32
    %convert_element_type3A = arith.extui %eq3A_9 : i1 to i32
    %cond3A = arith.constant 0 : i32
    %cond3A_10 = arith.cmpi ne, %convert_element_type3A, %cond3A : i32
    scf.if %cond3A_10 {
      %broadcast_in_dim3A_153 = arith.constant 0.000000e+00 : f32
      %broadcast_in_dim3A_154 = vector.broadcast %broadcast_in_dim3A_153 : f32 to vector<2x1024xf32>
      %swap3A_155 = arith.constant 0 : index
      %swap3A_156 = arith.constant 0 : index
      %swap3A_157 = vector.load %arg9[%swap3A_155, %swap3A_156] : memref<2x1024xf32, #tpu.memory_space<vmem>>, vector<2x1024xf32>
      tpu.vector_store %arg9[%swap3A_155, %swap3A_156], %broadcast_in_dim3A_154 {strides = array<i32>} : memref<2x1024xf32, #tpu.memory_space<vmem>>, vector<2x1024xf32>,
    } else {
    }
    %slice3A = vector.extract_strided_slice %add3A_8 {offsets = [0, 0], sizes = [256, 128], strides = [1, 1]} : vector<256x256xf32> to vector<256x128xf32>
    %get3A_11 = arith.constant 0 : index
    %get3A_12 = arith.constant 0 : index
    %get3A_13 = arith.constant 0 : index
    %get3A_14 = vector.load %arg4[%get3A_11, %get3A_12, %get3A_13] : memref<2x1024x128xf32, #tpu.memory_space<vmem>>, vector<1x1024x128xf32>
    %get3A_15 = vector.shape_cast %get3A_14 : vector<1x1024x128xf32> to vector<1024x128xf32>
    %dot_general3A_16 = arith.constant dense<0.000000e+00> : vector<256x1024xf32>
    %dot_general3A_17 = tpu.matmul %slice3A, %get3A_15, %dot_general3A_16 {dimension_numbers = #tpu.dot_dimension_numbers<[1], [1], [0], [0], [0, 0, 1, 0], [], []>, precision = #tpu.contract_precision<fp32>, transpose_lhs_hint = false} : vector<256x128xf32>, vector<1024x128xf32>, vector<256x1024xf32> -> vector<256x1024xf32>
    %mul3A = arith.mulf %slice3A, %slice3A : vector<256x128xf32>
    %reduce_sum3A = arith.constant dense<0.000000e+00> : vector<256xf32>
    %reduce_sum3A_18 = vector.multi_reduction <add>, %mul3A, %reduce_sum3A [1] : vector<256x128xf32> to vector<256xf32>
    %broadcast_in_dim3A_19 = vector.shape_cast %reduce_sum3A_18 : vector<256xf32> to vector<256x1xf32>
    %mul3A_20 = arith.mulf %get3A_15, %get3A_15 : vector<1024x128xf32>
    %reduce_sum3A_21 = arith.constant dense<0.000000e+00> : vector<1024xf32>
    %reduce_sum3A_22 = vector.multi_reduction <add>, %mul3A_20, %reduce_sum3A_21 [1] : vector<1024x128xf32> to vector<1024xf32>
    %broadcast_in_dim3A_23 = vector.shape_cast %reduce_sum3A_22 : vector<1024xf32> to vector<1x1024xf32>
    %mul3A_24 = arith.constant 2.000000e+00 : f32
    %mul3A_25 = vector.broadcast %mul3A_24 : f32 to vector<256x1024xf32>
    %mul3A_26 = arith.mulf %mul3A_25, %dot_general3A_17 : vector<256x1024xf32>
    %sub3A = vector.broadcast %broadcast_in_dim3A_19 : vector<256x1xf32> to vector<256x1024xf32>
    %sub3A_27 = arith.subf %sub3A, %mul3A_26 : vector<256x1024xf32>
    %add3A_28 = vector.broadcast %broadcast_in_dim3A_23 : vector<1x1024xf32> to vector<256x1024xf32>
    %add3A_29 = arith.addf %sub3A_27, %add3A_28 : vector<256x1024xf32>
    %swap3A = arith.constant 0 : index
    %swap3A_30 = arith.constant 0 : index
    %swap3A_31 = arith.constant 0 : index
    %swap3A_32 = vector.load %arg5[%swap3A, %swap3A_30, %swap3A_31] : memref<2x256x1024xf32, #tpu.memory_space<vmem>>, vector<1x256x1024xf32>
    %swap3A_33 = vector.shape_cast %swap3A_32 : vector<1x256x1024xf32> to vector<256x1024xf32>
    %swap3A_34 = vector.shape_cast %add3A_29 : vector<256x1024xf32> to vector<1x256x1024xf32>
    tpu.vector_store %arg5[%swap3A, %swap3A_30, %swap3A_31], %swap3A_34 {strides = array<i32>} : memref<2x256x1024xf32, #tpu.memory_space<vmem>>, vector<1x256x1024xf32>,
    %reduce_min3A = arith.constant dense<0x7F800000> : vector<256xf32>
    %reduce_min3A_35 = vector.multi_reduction <minimumf>, %add3A_29, %reduce_min3A [1] : vector<256x1024xf32> to vector<256xf32>
    %broadcast_in_dim3A_36 = vector.shape_cast %reduce_min3A_35 : vector<256xf32> to vector<256x1xf32>
    %eq3A_37 = vector.broadcast %broadcast_in_dim3A_36 : vector<256x1xf32> to vector<256x1024xf32>
    %eq3A_38 = arith.cmpf oeq, %add3A_29, %eq3A_37 : vector<256x1024xf32>
    %jit3A = arith.constant 1073741824 : i32
    %broadcast_in_dim3A_39 = vector.broadcast %jit3A : i32 to vector<256x1024xi32>
    %select_n3A = arith.select %eq3A_38, %iota3A, %broadcast_in_dim3A_39 : vector<256x1024xi1>, vector<256x1024xi32>
    %reduce_min3A_40 = arith.constant dense<2147483647> : vector<256xi32>
    %reduce_min3A_41 = vector.multi_reduction <minsi>, %select_n3A, %reduce_min3A_40 [1] : vector<256x1024xi32> to vector<256xi32>
    %add3A_42 = arith.constant 0 : i32
    %add3A_43 = vector.broadcast %add3A_42 : i32 to vector<256xi32>
    %add3A_44 = arith.addi %reduce_min3A_41, %add3A_43 : vector<256xi32>
    %reshape3A = vector.shape_cast %add3A_44 : vector<256xi32> to vector<2x128xi32>
    %mul3A_45 = arith.constant 2 : i32
    %mul3A_46 = arith.muli %arg0, %mul3A_45 : i32
    %add3A_47 = arith.constant 0 : i32
    %add3A_48 = arith.addi %add3A_47, %mul3A_46 : i32
    %swap3A_49 = arith.index_cast %add3A_48 : i32 to index
    %swap3A_50 = arith.constant 0 : index
    %swap3A_51 = vector.load %arg7[%swap3A_49, %swap3A_50] : memref<16x128xi32, #tpu.memory_space<vmem>>, vector<2x128xi32>
    tpu.vector_store %arg7[%swap3A_49, %swap3A_50], %reshape3A {strides = array<i32>} : memref<16x128xi32, #tpu.memory_space<vmem>>, vector<2x128xi32>,
    %broadcast_in_dim3A_52 = vector.shape_cast %reduce_min3A_41 : vector<256xi32> to vector<256x1xi32>
    %eq3A_53 = vector.broadcast %broadcast_in_dim3A_52 : vector<256x1xi32> to vector<256x1024xi32>
    %eq3A_54 = arith.cmpi eq, %iota3A, %eq3A_53 : vector<256x1024xi32>
    %convert_element_type3A_55 = arith.extui %eq3A_54 : vector<256x1024xi1> to vector<256x1024xi32>
    %convert_element_type3A_56 = arith.sitofp %convert_element_type3A_55 : vector<256x1024xi32> to vector<256x1024xf32>
    %swap3A_57 = arith.constant 0 : index
    %swap3A_58 = arith.constant 0 : index
    %swap3A_59 = arith.constant 0 : index
    %swap3A_60 = vector.load %arg6[%swap3A_57, %swap3A_58, %swap3A_59] : memref<2x256x1024xf32, #tpu.memory_space<vmem>>, vector<1x256x1024xf32>
    %swap3A_61 = vector.shape_cast %swap3A_60 : vector<1x256x1024xf32> to vector<256x1024xf32>
    %swap3A_62 = vector.shape_cast %convert_element_type3A_56 : vector<256x1024xf32> to vector<1x256x1024xf32>
    tpu.vector_store %arg6[%swap3A_57, %swap3A_58, %swap3A_59], %swap3A_62 {strides = array<i32>} : memref<2x256x1024xf32, #tpu.memory_space<vmem>>, vector<1x256x1024xf32>,
    %get3A_63 = arith.constant 0 : index
    %get3A_64 = arith.constant 0 : index
    %get3A_65 = vector.load %arg9[%get3A_63, %get3A_64] : memref<2x1024xf32, #tpu.memory_space<vmem>>, vector<1x1024xf32>
    %get3A_66 = vector.shape_cast %get3A_65 : vector<1x1024xf32> to vector<1024xf32>
    %reduce_sum3A_67 = arith.constant dense<0.000000e+00> : vector<1024xf32>
    %reduce_sum3A_68 = vector.multi_reduction <add>, %convert_element_type3A_56, %reduce_sum3A_67 [0] : vector<256x1024xf32> to vector<1024xf32>
    %add3A_69 = arith.addf %get3A_66, %reduce_sum3A_68 : vector<1024xf32>
    %swap3A_70 = arith.constant 0 : index
    %swap3A_71 = arith.constant 0 : index
    %swap3A_72 = vector.load %arg9[%swap3A_70, %swap3A_71] : memref<2x1024xf32, #tpu.memory_space<vmem>>, vector<1x1024xf32>
    %swap3A_73 = vector.shape_cast %swap3A_72 : vector<1x1024xf32> to vector<1024xf32>
    %swap3A_74 = vector.shape_cast %add3A_69 : vector<1024xf32> to vector<1x1024xf32>
    tpu.vector_store %arg9[%swap3A_70, %swap3A_71], %swap3A_74 {strides = array<i32>} : memref<2x1024xf32, #tpu.memory_space<vmem>>, vector<1x1024xf32>,
    %slice3A_75 = vector.extract_strided_slice %add3A_8 {offsets = [0, 128], sizes = [256, 128], strides = [1, 1]} : vector<256x256xf32> to vector<256x128xf32>
    %get3A_76 = arith.constant 1 : index
    %get3A_77 = arith.constant 0 : index
    %get3A_78 = arith.constant 0 : index
    %get3A_79 = vector.load %arg4[%get3A_76, %get3A_77, %get3A_78] : memref<2x1024x128xf32, #tpu.memory_space<vmem>>, vector<1x1024x128xf32>
    %get3A_80 = vector.shape_cast %get3A_79 : vector<1x1024x128xf32> to vector<1024x128xf32>
    %dot_general3A_81 = arith.constant dense<0.000000e+00> : vector<256x1024xf32>
    %dot_general3A_82 = tpu.matmul %slice3A_75, %get3A_80, %dot_general3A_81 {dimension_numbers = #tpu.dot_dimension_numbers<[1], [1], [0], [0], [0, 0, 1, 0], [], []>, precision = #tpu.contract_precision<fp32>, transpose_lhs_hint = false} : vector<256x128xf32>, vector<1024x128xf32>, vector<256x1024xf32> -> vector<256x1024xf32>
    %mul3A_83 = arith.mulf %slice3A_75, %slice3A_75 : vector<256x128xf32>
    %reduce_sum3A_84 = arith.constant dense<0.000000e+00> : vector<256xf32>
    %reduce_sum3A_85 = vector.multi_reduction <add>, %mul3A_83, %reduce_sum3A_84 [1] : vector<256x128xf32> to vector<256xf32>
    %broadcast_in_dim3A_86 = vector.shape_cast %reduce_sum3A_85 : vector<256xf32> to vector<256x1xf32>
    %mul3A_87 = arith.mulf %get3A_80, %get3A_80 : vector<1024x128xf32>
    %reduce_sum3A_88 = arith.constant dense<0.000000e+00> : vector<1024xf32>
    %reduce_sum3A_89 = vector.multi_reduction <add>, %mul3A_87, %reduce_sum3A_88 [1] : vector<1024x128xf32> to vector<1024xf32>
    %broadcast_in_dim3A_90 = vector.shape_cast %reduce_sum3A_89 : vector<1024xf32> to vector<1x1024xf32>
    %mul3A_91 = arith.constant 2.000000e+00 : f32
    %mul3A_92 = vector.broadcast %mul3A_91 : f32 to vector<256x1024xf32>
    %mul3A_93 = arith.mulf %mul3A_92, %dot_general3A_82 : vector<256x1024xf32>
    %sub3A_94 = vector.broadcast %broadcast_in_dim3A_86 : vector<256x1xf32> to vector<256x1024xf32>
    %sub3A_95 = arith.subf %sub3A_94, %mul3A_93 : vector<256x1024xf32>
    %add3A_96 = vector.broadcast %broadcast_in_dim3A_90 : vector<1x1024xf32> to vector<256x1024xf32>
    %add3A_97 = arith.addf %sub3A_95, %add3A_96 : vector<256x1024xf32>
    %swap3A_98 = arith.constant 1 : index
    %swap3A_99 = arith.constant 0 : index
    %swap3A_100 = arith.constant 0 : index
    %swap3A_101 = vector.load %arg5[%swap3A_98, %swap3A_99, %swap3A_100] : memref<2x256x1024xf32, #tpu.memory_space<vmem>>, vector<1x256x1024xf32>
    %swap3A_102 = vector.shape_cast %swap3A_101 : vector<1x256x1024xf32> to vector<256x1024xf32>
    %swap3A_103 = vector.shape_cast %add3A_97 : vector<256x1024xf32> to vector<1x256x1024xf32>
    tpu.vector_store %arg5[%swap3A_98, %swap3A_99, %swap3A_100], %swap3A_103 {strides = array<i32>} : memref<2x256x1024xf32, #tpu.memory_space<vmem>>, vector<1x256x1024xf32>,
    %reduce_min3A_104 = arith.constant dense<0x7F800000> : vector<256xf32>
    %reduce_min3A_105 = vector.multi_reduction <minimumf>, %add3A_97, %reduce_min3A_104 [1] : vector<256x1024xf32> to vector<256xf32>
    %broadcast_in_dim3A_106 = vector.shape_cast %reduce_min3A_105 : vector<256xf32> to vector<256x1xf32>
    %eq3A_107 = vector.broadcast %broadcast_in_dim3A_106 : vector<256x1xf32> to vector<256x1024xf32>
    %eq3A_108 = arith.cmpf oeq, %add3A_97, %eq3A_107 : vector<256x1024xf32>
    %jit3A_109 = arith.constant 1073741824 : i32
    %broadcast_in_dim3A_110 = vector.broadcast %jit3A_109 : i32 to vector<256x1024xi32>
    %select_n3A_111 = arith.select %eq3A_108, %iota3A, %broadcast_in_dim3A_110 : vector<256x1024xi1>, vector<256x1024xi32>
    %reduce_min3A_112 = arith.constant dense<2147483647> : vector<256xi32>
    %reduce_min3A_113 = vector.multi_reduction <minsi>, %select_n3A_111, %reduce_min3A_112 [1] : vector<256x1024xi32> to vector<256xi32>
    %add3A_114 = arith.constant 1024 : i32
    %add3A_115 = vector.broadcast %add3A_114 : i32 to vector<256xi32>
    %add3A_116 = arith.addi %reduce_min3A_113, %add3A_115 : vector<256xi32>
    %reshape3A_117 = vector.shape_cast %add3A_116 : vector<256xi32> to vector<2x128xi32>
    %mul3A_118 = arith.constant 2 : i32
    %mul3A_119 = arith.muli %arg0, %mul3A_118 : i32
    %add3A_120 = arith.constant 8 : i32
    %add3A_121 = arith.addi %add3A_120, %mul3A_119 : i32
    %swap3A_122 = arith.index_cast %add3A_121 : i32 to index
    %swap3A_123 = arith.constant 0 : index
    %swap3A_124 = vector.load %arg7[%swap3A_122, %swap3A_123] : memref<16x128xi32, #tpu.memory_space<vmem>>, vector<2x128xi32>
    tpu.vector_store %arg7[%swap3A_122, %swap3A_123], %reshape3A_117 {strides = array<i32>} : memref<16x128xi32, #tpu.memory_space<vmem>>, vector<2x128xi32>,
    %broadcast_in_dim3A_125 = vector.shape_cast %reduce_min3A_113 : vector<256xi32> to vector<256x1xi32>
    %eq3A_126 = vector.broadcast %broadcast_in_dim3A_125 : vector<256x1xi32> to vector<256x1024xi32>
    %eq3A_127 = arith.cmpi eq, %iota3A, %eq3A_126 : vector<256x1024xi32>
    %convert_element_type3A_128 = arith.extui %eq3A_127 : vector<256x1024xi1> to vector<256x1024xi32>
    %convert_element_type3A_129 = arith.sitofp %convert_element_type3A_128 : vector<256x1024xi32> to vector<256x1024xf32>
    %swap3A_130 = arith.constant 1 : index
    %swap3A_131 = arith.constant 0 : index
    %swap3A_132 = arith.constant 0 : index
    %swap3A_133 = vector.load %arg6[%swap3A_130, %swap3A_131, %swap3A_132] : memref<2x256x1024xf32, #tpu.memory_space<vmem>>, vector<1x256x1024xf32>
    %swap3A_134 = vector.shape_cast %swap3A_133 : vector<1x256x1024xf32> to vector<256x1024xf32>
    %swap3A_135 = vector.shape_cast %convert_element_type3A_129 : vector<256x1024xf32> to vector<1x256x1024xf32>
    tpu.vector_store %arg6[%swap3A_130, %swap3A_131, %swap3A_132], %swap3A_135 {strides = array<i32>} : memref<2x256x1024xf32, #tpu.memory_space<vmem>>, vector<1x256x1024xf32>,
    %get3A_136 = arith.constant 1 : index
    %get3A_137 = arith.constant 0 : index
    %get3A_138 = vector.load %arg9[%get3A_136, %get3A_137] : memref<2x1024xf32, #tpu.memory_space<vmem>>, vector<1x1024xf32>
    %get3A_139 = vector.shape_cast %get3A_138 : vector<1x1024xf32> to vector<1024xf32>
    %reduce_sum3A_140 = arith.constant dense<0.000000e+00> : vector<1024xf32>
    %reduce_sum3A_141 = vector.multi_reduction <add>, %convert_element_type3A_129, %reduce_sum3A_140 [0] : vector<256x1024xf32> to vector<1024xf32>
    %add3A_142 = arith.addf %get3A_139, %reduce_sum3A_141 : vector<1024xf32>
    %swap3A_143 = arith.constant 1 : index
    %swap3A_144 = arith.constant 0 : index
    %swap3A_145 = vector.load %arg9[%swap3A_143, %swap3A_144] : memref<2x1024xf32, #tpu.memory_space<vmem>>, vector<1x1024xf32>
    %swap3A_146 = vector.shape_cast %swap3A_145 : vector<1x1024xf32> to vector<1024xf32>
    %swap3A_147 = vector.shape_cast %add3A_142 : vector<1024xf32> to vector<1x1024xf32>
    tpu.vector_store %arg9[%swap3A_143, %swap3A_144], %swap3A_147 {strides = array<i32>} : memref<2x1024xf32, #tpu.memory_space<vmem>>, vector<1x1024xf32>,
    %eq3A_148 = arith.constant 3 : i32
    %eq3A_149 = arith.cmpi eq, %arg0, %eq3A_148 : i32
    %convert_element_type3A_150 = arith.extui %eq3A_149 : i1 to i32
    %cond3A_151 = arith.constant 0 : i32
    %cond3A_152 = arith.cmpi ne, %convert_element_type3A_150, %cond3A_151 : i32
    scf.if %cond3A_152 {
      %get3A_153 = arith.constant 0 : index
      %get3A_154 = arith.constant 0 : index
      %get3A_155 = vector.load %arg9[%get3A_153, %get3A_154] : memref<2x1024xf32, #tpu.memory_space<vmem>>, vector<1x1024xf32>
      %get3A_156 = vector.shape_cast %get3A_155 : vector<1x1024xf32> to vector<1024xf32>
      %mul3A_157 = arith.constant 9.765625E-4 : f32
      %mul3A_158 = vector.broadcast %mul3A_157 : f32 to vector<1024xf32>
      %mul3A_159 = arith.mulf %get3A_156, %mul3A_158 : vector<1024xf32>
      %jit3A_160 = arith.constant 1.000000e-10 : f32
      %jit3A_161 = arith.constant 1.000000e+00 : f32
      %max3A = vector.broadcast %jit3A_160 : f32 to vector<1024xf32>
      %max3A_162 = arith.maximumf %max3A, %mul3A_159 : vector<1024xf32>
      %min3A = vector.broadcast %jit3A_161 : f32 to vector<1024xf32>
      %min3A_163 = arith.minimumf %min3A, %max3A_162 : vector<1024xf32>
      %add3A_164 = arith.constant 1.000000e-10 : f32
      %add3A_165 = vector.broadcast %add3A_164 : f32 to vector<1024xf32>
      %add3A_166 = arith.addf %min3A_163, %add3A_165 : vector<1024xf32>
      %log3A = math.log %add3A_166 : vector<1024xf32>
      %mul3A_167 = arith.mulf %min3A_163, %log3A : vector<1024xf32>
      %reduce_sum3A_168 = vector.shape_cast %mul3A_167 : vector<1024xf32> to vector<1x1024xf32>
      %reduce_sum3A_169 = arith.constant dense<0.000000e+00> : vector<1xf32>
      %reduce_sum3A_170 = vector.multi_reduction <add>, %reduce_sum3A_168, %reduce_sum3A_169 [1] : vector<1x1024xf32> to vector<1xf32>
      %reduce_sum3A_171 = vector.shape_cast %reduce_sum3A_170 : vector<1xf32> to vector<1x1xf32>
      %reduce_sum3A_172 = vector.extract %reduce_sum3A_171[0, 0] : f32 from vector<1x1xf32>
      %neg3A = arith.constant 0.000000e+00 : f32
      %neg3A_173 = arith.subf %neg3A, %reduce_sum3A_172 : f32
      %exp3A = math.exp %neg3A_173 : f32
      %get3A_174 = arith.constant 1 : index
      %get3A_175 = arith.constant 0 : index
      %get3A_176 = vector.load %arg9[%get3A_174, %get3A_175] : memref<2x1024xf32, #tpu.memory_space<vmem>>, vector<1x1024xf32>
      %get3A_177 = vector.shape_cast %get3A_176 : vector<1x1024xf32> to vector<1024xf32>
      %mul3A_178 = arith.constant 9.765625E-4 : f32
      %mul3A_179 = vector.broadcast %mul3A_178 : f32 to vector<1024xf32>
      %mul3A_180 = arith.mulf %get3A_177, %mul3A_179 : vector<1024xf32>
      %jit3A_181 = arith.constant 1.000000e-10 : f32
      %jit3A_182 = arith.constant 1.000000e+00 : f32
      %max3A_183 = vector.broadcast %jit3A_181 : f32 to vector<1024xf32>
      %max3A_184 = arith.maximumf %max3A_183, %mul3A_180 : vector<1024xf32>
      %min3A_185 = vector.broadcast %jit3A_182 : f32 to vector<1024xf32>
      %min3A_186 = arith.minimumf %min3A_185, %max3A_184 : vector<1024xf32>
      %add3A_187 = arith.constant 1.000000e-10 : f32
      %add3A_188 = vector.broadcast %add3A_187 : f32 to vector<1024xf32>
      %add3A_189 = arith.addf %min3A_186, %add3A_188 : vector<1024xf32>
      %log3A_190 = math.log %add3A_189 : vector<1024xf32>
      %mul3A_191 = arith.mulf %min3A_186, %log3A_190 : vector<1024xf32>
      %reduce_sum3A_192 = vector.shape_cast %mul3A_191 : vector<1024xf32> to vector<1x1024xf32>
      %reduce_sum3A_193 = arith.constant dense<0.000000e+00> : vector<1xf32>
      %reduce_sum3A_194 = vector.multi_reduction <add>, %reduce_sum3A_192, %reduce_sum3A_193 [1] : vector<1x1024xf32> to vector<1xf32>
      %reduce_sum3A_195 = vector.shape_cast %reduce_sum3A_194 : vector<1xf32> to vector<1x1xf32>
      %reduce_sum3A_196 = vector.extract %reduce_sum3A_195[0, 0] : f32 from vector<1x1xf32>
      %neg3A_197 = arith.constant 0.000000e+00 : f32
      %neg3A_198 = arith.subf %neg3A_197, %reduce_sum3A_196 : f32
      %exp3A_199 = math.exp %neg3A_198 : f32
      %add3A_200 = arith.addf %exp3A, %exp3A_199 : f32
      %mul3A_201 = arith.constant 5.000000e-01 : f32
      %mul3A_202 = arith.mulf %mul3A_201, %add3A_200 : f32
      %reshape3A_203 = vector.broadcast %mul3A_202 : f32 to vector<1x1xf32>
      %swap3A_204 = arith.constant 0 : index
      %swap3A_205 = arith.constant 0 : index
      %swap3A_206 = vector.load %arg8[%swap3A_204, %swap3A_205] : memref<1x1xf32, #tpu.memory_space<vmem>>, vector<1x1xf32>
      tpu.vector_store %arg8[%swap3A_204, %swap3A_205], %reshape3A_203 {strides = array<i32>} : memref<1x1xf32, #tpu.memory_space<vmem>>, vector<1x1xf32>,
    } else {
    }
    return
  }
  func.func @transform_0(%arg0: i32) -> (i32, i32) {
    %c0_i32 = arith.constant 0 : i32
    %c0_i32_0 = arith.constant 0 : i32
    return %arg0, %c0_i32 : i32, i32
  }
  func.func @transform_1(%arg0: i32) -> (i32, i32) {
    %c0_i32 = arith.constant 0 : i32
    %c0_i32_0 = arith.constant 0 : i32
    %c0_i32_1 = arith.constant 0 : i32
    return %c0_i32, %c0_i32_0 : i32, i32
  }
  func.func @transform_2(%arg0: i32) -> i32 {
    %c0_i32 = arith.constant 0 : i32
    %c0_i32_0 = arith.constant 0 : i32
    return %c0_i32 : i32
  }
  func.func @transform_3(%arg0: i32) -> (i32, i32, i32) {
    %c0_i32 = arith.constant 0 : i32
    %c0_i32_0 = arith.constant 0 : i32
    %c0_i32_1 = arith.constant 0 : i32
    %c0_i32_2 = arith.constant 0 : i32
    return %c0_i32, %c0_i32_0, %c0_i32_1 : i32, i32, i32
  }
  func.func @transform_4(%arg0: i32) -> (i32, i32, i32) {
    %c0_i32 = arith.constant 0 : i32
    %c0_i32_0 = arith.constant 0 : i32
    %c0_i32_1 = arith.constant 0 : i32
    return %c0_i32, %arg0, %c0_i32_0 : i32, i32, i32
  }
  func.func @transform_5(%arg0: i32) -> (i32, i32, i32) {
    %c0_i32 = arith.constant 0 : i32
    %c0_i32_0 = arith.constant 0 : i32
    %c0_i32_1 = arith.constant 0 : i32
    return %c0_i32, %arg0, %c0_i32_0 : i32, i32, i32
  }
  func.func @transform_6(%arg0: i32) -> (i32, i32) {
    %c0_i32 = arith.constant 0 : i32
    %c0_i32_0 = arith.constant 0 : i32
    %c0_i32_1 = arith.constant 0 : i32
    return %c0_i32, %c0_i32_0 : i32, i32
  }
  func.func @transform_7(%arg0: i32) -> (i32, i32) {
    %c0_i32 = arith.constant 0 : i32
    %c0_i32_0 = arith.constant 0 : i32
    %c0_i32_1 = arith.constant 0 : i32
    return %c0_i32, %c0_i32_0 : i32, i32
  }
}

</mosaic_0001>

<sc_bundles>
// kernel: kernel.4.cloned.1.call-start
scs
__scs_entry_jumppad:
0x0: {  	(pc) =	sbr.rel $0x88, $3  }
0x1: {  	(tag) =	ssettag $0x0;
	lr =	simm.s32 $0x1  }
0x2: {  	[smem:$0x3F9D] =	sst lr;
	_ =	strace $0xD0000000  }
0x3: {  	_ = 	snop  }
0x4: {  	_ = 	snop  }
0x5: {  	_ = 	snop  }
0x6: {  	_ = 	snop  }
0x7: {  	_ = 	snop  }
__scs_overlays_trampoline_lowered:
0x8: {  	[smem:$0x3FAC] =	sst s0  }
0x9: {  	[smem:$0x3FAD] =	sst s1  }
0xa: {  	[smem:$0x3FAE] =	sst s2  }
0xb: {  	[smem:$0x3FAF] =	sst s3  }
0xc: {  	[smem:$0x3FB0] =	sst s4  }
0xd: {  	[smem:$0x3FB1] =	sst s5  }
0xe: {  	[smem:$0x3FB2] =	sst s6  }
0xf: {  	[smem:$0x3FB3] =	sst s7  }
0x10: {  	[smem:$0x3FB4] =	sst s8  }
0x11: {  	[smem:$0x3FB5] =	sst s9;
	s0 =	simm.s32 @!p0 $0x0  }
0x12: {  	s1 =	sld [smem:$0x3F9B];
	s0 =	simm.s32 @p0 $0x1  }
0x13: {  	[smem:$0x3FB6] =	sst s0;
	s0 =	simm.s32 @!p1 $0x0  }
0x14: {  	s2 =	sld [smem:$0x3F9A];
	s0 =	simm.s32 @p1 $0x1  }
0x15: {  	[smem:$0x3FB7] =	sst s0;
	s0 =	simm.s32 @!p2 $0x0  }
0x16: {  	s3 =	sld [smem:$0x3FDB];
	s0 =	simm.s32 @p2 $0x1  }
0x17: {  	s4 =	simm.s32 $0x1BF5;
	[smem:$0x3FB9] =	sst s0  }
0x18: {  	s0 =	sld [smem:$0x3F9C];
	_ =	swait.ge [sflag:s4], $0x0  }
0x19: {  	s7 =	sld [smem:$0x3F9D]  }
0x1a: {  	s8 =	sadd.s32 $0xFFFFE003, lr  }
0x1b: {  	s9 =	sadd.s32 $0xFFFFFEF7, lr;
	s5 =	simm.s32 $0xFFFFFFFF;
	p2 =	slt.u32 s8, $0xFFFFF086  }
0x1c: {  	p1 =	slt.u32 s9, $0xF7A;
	s5 =	simm.s32 @!p2 $0x0  }
0x1d: {  	s5 =	simm.s32 @p1 $0x1;
	p0 =	seq.s32 s7, s2  }
0x1e: {  	s7 =	smul.u32 @!p0 $0xF7A, s2;
	p2 =	seq.s32 @!p0 s5, $0x0  }
0x1f: {  	s9 =	smul.u32 $0xF7A, s1;
	s8 =	simm.s32 @!p0 $0x1BF5;
	p2 =	por !p2, p0  }
0x20: {  	[sflag:s8] =	ssyncset.s32 @!p0 $0xFFFFF086;
	s6 =	sadd.s32 @!p0 s3, s7;
	s7 =	simm.s32 @!p0 $0x108  }
0x21: {  	s3 =	sadd.s32 s3, s9;
	s6 =	sadd.s32 @!p0 $0x88, s6;
	s7 =	simm.s32 @p2 $0x1082  }
0x22: {  	[simem:s7], [sflag:s8] =	dma.local @!p0 [hbm:s6], $0xF7A  }
0x23: {  	s9 =	sor.u32 $0xD0000000, s2;
	s6 =	simm.s32 $0x108;
	_ =	swait.ge @!p0 [sflag:s8], $0x0  }
0x24: {  	s3 =	sadd.s32 $0x88, s3;
	s6 =	simm.s32 @!p1 $0x1082;
	[sflag:s4] =	ssyncset.s32 $0xFFFFF086  }
0x25: {  	[simem:s6], [sflag:s4] =	dma.local [hbm:s3], $0xF7A  }
0x26: {  	[smem:$0x3F9D] =	sst s1;
	(tag) =	ssettag s2;
	_ =	strace s9  }
0x27: {  	s1 =	sld [smem:$0x3FAD]  }
0x28: {  	s2 =	sld [smem:$0x3FAE]  }
0x29: {  	s4 =	sld [smem:$0x3FB0]  }
0x2a: {  	p0 =	seq.s32 s5, $0x0;
	s5 =	sld [smem:$0x3FB1]  }
0x2b: {  	s6 =	sld [smem:$0x3FB2]  }
0x2c: {  	s7 =	sld [smem:$0x3FB3]  }
0x2d: {  	s3 =	simm.s32 $0x108;
	s8 =	sld [smem:$0x3FB4]  }
0x2e: {  	s3 =	simm.s32 @!p0 $0x1082;
	s9 =	sld [smem:$0x3FB5]  }
0x2f: {  	lr =	sadd.s32 s0, s3;
	s0 =	sld [smem:$0x3FAC]  }
0x30: {  	s3 =	sld [smem:$0x3FAF]  }
0x31: {  	[smem:$0x3FB8] =	sst s10  }
0x32: {  	s10 =	sld [smem:$0x3FB6];
	_ =	sdelay $0x3  }
0x33: {  	p0 =	seq.s32 s10, $0x1;
	s10 =	sld [smem:$0x3FB8];
	_ =	sdelay $0x3  }
0x34: {  	[smem:$0x3FB8] =	sst s10  }
0x35: {  	s10 =	sld [smem:$0x3FB7];
	_ =	sdelay $0x3  }
0x36: {  	p1 =	seq.s32 s10, $0x1;
	s10 =	sld [smem:$0x3FB8];
	_ =	sdelay $0x3  }
0x37: {  	[smem:$0x3FB8] =	sst s10  }
0x38: {  	s10 =	sld [smem:$0x3FB9]  }
0x39: {  	_ = 	snop;
	(pc) =	sbr.ind lr, $3  }
0x3a: {  	_ = 	snop  }
0x3b: {  	_ = 	snop  }
0x3c: {  	p2 =	seq.s32 s10, $0x1;
	s10 =	sld [smem:$0x3FB8]  }
0x3d: {  	_ =	shalt  }
0x3e: {  	_ =	shalt  }
0x3f: {  	_ =	shalt  }
0x40: {  	_ =	shalt  }
0x41: {  	_ =	shalt  }
0x42: {  	_ =	shalt  }
0x43: {  	_ =	shalt  }
0x44: {  	_ =	shalt  }
0x45: {  	_ =	shalt  }
0x46: {  	_ =	shalt  }
0x47: {  	_ =	shalt  }
0x48: {  	_ =	shalt  }
0x49: {  	_ =	shalt  }
0x4a: {  	_ =	shalt  }
0x4b: {  	_ =	shalt  }
0x4c: {  	_ =	shalt  }
0x4d: {  	_ =	shalt  }
0x4e: {  	_ =	shalt  }
0x4f: {  	_ =	shalt  }
0x50: {  	_ =	shalt  }
0x51: {  	_ =	shalt  }
0x52: {  	_ =	shalt  }
0x53: {  	_ =	shalt  }
0x54: {  	_ =	shalt  }
0x55: {  	_ =	shalt  }
0x56: {  	_ =	shalt  }
0x57: {  	_ =	shalt  }
0x58: {  	_ =	shalt  }
0x59: {  	_ =	shalt  }
0x5a: {  	_ =	shalt  }
0x5b: {  	_ =	shalt  }
0x5c: {  	_ =	shalt  }
0x5d: {  	_ =	shalt  }
0x5e: {  	_ =	shalt  }
0x5f: {  	_ =	shalt  }
0x60: {  	_ =	shalt  }
0x61: {  	_ =	shalt  }
0x62: {  	_ =	shalt  }
0x63: {  	_ =	shalt  }
0x64: {  	_ =	shalt  }
0x65: {  	_ =	shalt  }
0x66: {  	_ =	shalt  }
0x67: {  	_ =	shalt  }
0x68: {  	_ =	shalt  }
0x69: {  	_ =	shalt  }
0x6a: {  	_ =	shalt  }
0x6b: {  	_ =	shalt  }
0x6c: {  	_ =	shalt  }
0x6d: {  	_ =	shalt  }
0x6e: {  	_ =	shalt  }
0x6f: {  	_ =	shalt  }
0x70: {  	_ =	shalt  }
0x71: {  	_ =	shalt  }
0x72: {  	_ =	shalt  }
0x73: {  	_ =	shalt  }
0x74: {  	_ =	shalt  }
0x75: {  	_ =	shalt  }
0x76: {  	_ =	shalt  }
0x77: {  	_ =	shalt  }
0x78: {  	_ =	shalt  }
0x79: {  	_ =	shalt  }
0x7a: {  	_ =	shalt  }
0x7b: {  	_ =	shalt  }
0x7c: {  	_ =	shalt  }
0x7d: {  	_ =	shalt  }
0x7e: {  	_ =	shalt  }
0x7f: {  	_ =	shalt  }
0x80: {  	_ =	shalt  }
0x81: {  	_ =	shalt  }
0x82: {  	_ =	shalt  }
0x83: {  	_ =	shalt  }
0x84: {  	_ =	shalt  }
0x85: {  	_ =	shalt  }
0x86: {  	_ =	shalt  }
0x87: {  	_ =	shalt  }
.Lfunc_end0:
.L_simem_size_0:
called_computation_lowered:
.L_overlay_start_0:
0x88: {  	s2 =	sld [smem:$0x3FD9]  }
0x89: {  	s3 =	sld [smem:$0x3FFE];
	_ =	sdelay $0x1  }
0x8a: {  	s1 =	srdreg.scid  }
0x8b: {  	s0 =	sand.u32 $0x1, s1  }
0x8c: {  	s14 =	sshll.u32 s0, $0xA;
	s2 =	sadd.s32 s3, s2  }
0x8d: {  	s2 =	sadd.s32 s2, s14  }
0x8e: {  	[smem:$0x3FC4] =	sst s2  }
0x8f: {  	_ = 	snop  }
0x90: {  	s2 =	sld [smem:$0x3FD0];
	_ =	sdelay $0x2  }
0x91: {  	s4 =	simm.s32 $0xA;
	s5 =	simm.s32 $0x10;
	s15 =	sld [smem:$0x3FC6]  }
0x92: {  	[smem:s5], [sflag:s4] =	dma.local [hbm:s2], $0x1  }
0x93: {  	_ =	swait.eq [sflag:s4], $0x1  }
0x94: {  	[sflag:s4] =	ssyncset.done $0x0  }
0x95: {  	[sflag:s4] =	ssyncadd.s32 $0xFFFFFFFF  }
0x96: {  	s16 =	sld [smem:$0x10];
	(tm) =	ssettm $0x1  }
0x97: {  	s17 =	sld [smem:$0x3FFB];
	_ =	sdelay $0x3  }
0x98: {  	_ =	strace s17  }
0x99: {  	s4 =	sld [smem:$0x3FFC];
	_ =	sdelay $0x3  }
0x9a: {  	_ =	strace s4  }
0x9b: {  	s4 =	sld [smem:$0x3FFD];
	_ =	sdelay $0x3  }
0x9c: {  	_ =	strace s4  }
0x9d: {  	_ =	strace $0x8FFFFFFF  }
0x9e: {  	s18 =	sld [smem:$0x3FDB];
	_ =	sdelay $0x1  }
0x9f: {  	s19 =	simm.s32 $_scs_section_size  }
0xa0: {  	s6 =	simm.s32 $_size__tile_overlayer_lowered;
	s7 =	simm.s32 $_tile_overlayer_lowered  }
0xa1: {  	s22 =	simm.s32 $0x1BFF;
	s21 =	sshll.u32 s7, $0x1;
	s4 =	sadd.s32 s19, s18  }
0xa2: {  	s8 =	simm.s32 $0x0;
	s20 =	sshll.u32 s6, $0x1;
	s6 =	sadd.s32 s21, s4  }
0xa3: {  	[timem:s8], [sflag:s22] =	dma.local [hbm:s6], s20  }
0xa4: {  	_ =	swait.ge [sflag:s22], s20  }
0xa5: {  	s5 =	ssub.s32 $0x0, s20;
	[sflag:s22] =	ssyncset.done $0x0  }
0xa6: {  	[sflag:s22] =	ssyncadd.s32 s5;
	_ =	sdelay $0x1  }
0xa7: {  	s23 =	simm.s32 $0x1B8B  }
0xa8: {  	_ =	swait.ge [sflag:s23], $0x1  }
0xa9: {  	[sflag:s23] =	ssyncset.done $0x0  }
0xaa: {  	s25 =	simm.s32 $0x1B8E;
	s24 =	sld [smem:$0x3FFE];
	[sflag:s23] =	ssyncadd.s32 $0xFFFFFFFF  }
0xab: {  	s26 =	simm.s32 $execute0_lowered;
	[smem:$0x3FD2] =	sst s25  }
0xac: {  	s6 =	sshll.u32 s26, $0x1;
	_ =	strace $0x80000046;
	[dreg:$0x1] =	wrdreg $0xFFFFFFFF  }
0xad: {  	s28 =	simm.s32 $_size_execute0_lowered;
	s4 =	sadd.s32 s4, s6;
	[dreg:$0x0] =	wrdreg $0x0  }
0xae: {  	s6 =	sshll.u32 s28, $0x1;
	[dreg:$0x2] =	wrdreg s4  }
0xaf: {  	[dreg:$0x3] =	wrdreg s6  }
0xb0: {  	[dreg:$0x4] =	wrdreg $0xC0  }
0xb1: {  	_ =	task [dreg:s8], $0x5FFFF  }
0xb2: {  	[dreg:$0x1] =	wrdreg $0xFFFFFFFF  }
0xb3: {  	[dreg:$0x0] =	wrdreg $0x60  }
0xb4: {  	[dreg:$0x2] =	wrdreg s24  }
0xb5: {  	[dreg:$0x3] =	wrdreg s15  }
0xb6: {  	[dreg:$0x4] =	wrdreg s16  }
0xb7: {  	[dreg:$0x5] =	wrdreg $0x9  }
0xb8: {  	_ =	task.clear_ibuf [dreg:s8], $0x6FFFF;
	_ =	strace $0x90000046  }
0xb9: {  	s29 =	simm.s32 $0x9;
	_ =	strace $0x80000048  }
0xba: {  	_ =	swait.ge [sflag:s29], $0x1  }
0xbb: {  	[sflag:s29] =	ssyncadd.s32 $0xFFFFFFFF  }
0xbc: {  	_ =	strace $0x90000048  }
0xbd: {  	_ =	sfence  }
0xbe: {  	s30 =	sld [smem:$0x0];
	_ =	sdelay $0x2  }
0xbf: {  	s31 =	sshll.u32 s1, $0xD;
	s1 =	sshrl.u32 s1, $0x2  }
0xc0: {  	s3 =	sand.u32 $0x4000, s31;
	s1 =	sadd.s32 s1, s30  }
0xc1: {  	s0 =	sor.u32 s3, s0;
	s1 =	sshll.u32 s1, $0x11  }
0xc2: {  	s0 =	sor.u32 s1, s0  }
0xc3: {  	s0 =	sadd.s32 $0x8F2B, s0  }
0xc4: {  	[sflag:s0] =	ssyncadd.remote.s32 $0x1  }
0xc5: {  	_ =	sfence.sel $0xFFFF  }
0xc6: {  	[dreg:$0x0] =	wrdreg $0xFFFFFFFF;
	(pc) =	sbr.abs _section_cstart, $3  }
0xc7: {  	[dreg:$0x1] =	wrdreg $0xFFFFFFFF  }
0xc8: {  	_ =	task.clear_ibuf [dreg:s8], $0x2FFFF;
	_ =	strace $0x9FFFFFFF  }
0xc9: {  	(tm) =	ssettm $0x7FFFFFFF  }
tec
execute0_lowered:
.L_overlay_start_1:
0x0: {  	(tag) =	ssettag $0x1  }
0x1: {  	s4 =	rddreg [dreg:$0x0]  }
0x2: {  	s2 =	rddreg [dreg:$0x1];
	s3 =	srdreg.scid  }
0x3: {  	s9 =	rddreg [dreg:$0x2];
	s1 =	stileid.u32;
	s5 =	sand.u32 $0x1, s3  }
0x4: {  	s0 =	rddreg [dreg:$0x3];
	s6 =	sshll.u32 s1, $0x3;
	s10 =	sshll.u32 s5, $0x7  }
0x5: {  	s7 =	simm.s32 $0x80;
	s3 =	simm.s32 $0x0;
	s6 =	sor.u32 s6, s10  }
0x6: {  	[smem:$0x7FF] =	sst s3;
	s11 =	ssub.s32 $0x2, s5;
	s4 =	sadd.s32 s6, s4  }
0x7: {  	_ =	strace $0x80000047;
	s5 =	sadd.s32 $0x1000, s4;
	s4 =	simm.s32 $0x2  }
0x8: {  	[tilespmem:s3], [sflag:$0x2] =	stream.linear.gather [hbm4b:s5+s3], $0x40, $0x38;
	[tilespmem:$0x2080] =	vst v63  }
0x9: {  	s8 =	simm.s32 $0x1;
	s12 =	sshrl.u32 s11, $0x1;
	_ =	swait.ge [sflag:s4], $0x40  }
0xa: {  	s13 =	sshll.u32 s1, $0xB;
	s11 =	ssub.s32 s11, s12;
	[sflag:s4] =	ssyncset.done $0x0  }
0xb: {  	s6 =	simm.s32 $0x40;
	s12 =	smax.u32 s11, $0x1;
	[sflag:s4] =	ssyncadd.s32 $0xFFFFFFC0  }
0xc: {  	[tilespmem:s7], [sflag:$0x1] =	stream.indirect.gather [hbm4b:s2+s6], $0x80, s3, s6, $0xb8;
	[tilespmem:$0x2080] =	vst v63  }
0xd: {  	s10 =	sor.u32 s13, s10;
	p0 =	sne.s32 s12, $0x1;
	_ =	swait.ge [sflag:s8], $0x2000  }
.Ltmp0:
0xe: {  	s9 =	sadd.s32 s9, s10;
	[sflag:s8] =	ssyncset.done $0x0;
	(pc) =	sbr.rel @!p0 .LBB2_2-.Ltmp0, $4  }
0xf: {  	s10 =	simm.s32 $0x400;
	s11 =	simm.s32 $0x800;
	[sflag:s8] =	ssyncadd.s32 $0xFFFFE000  }
0x10: {  	[hbm4b:s9+s10] =	stream.strided.scatter [tilespmem:s7], [sflag:$0x2], $0x2000, s11, s10, $0x38;
	[tilespmem:$0x2080] =	vst v63  }
0x11: {  	_ =	swait.ge [sflag:s4], $0x2000  }
0x12: {  	s12 =	sadd.s32 $0xFFFFFFFF, s12;
	[sflag:s4] =	ssyncset.done $0x0  }
.LBB2_1:
0x13: {  	p0 =	sne.s32 s12, $0x1;
	s12 =	sadd.s32 $0xFFFFFFFF, s12;
	[sflag:s4] =	ssyncadd.s32 $0xFFFFE000  }
0x14: {  	[tilespmem:s3], [sflag:$0x2] =	stream.linear.gather [hbm4b:s5+s3], $0x40, $0x38;
	[tilespmem:$0x2080] =	vst v63  }
0x15: {  	_ =	swait.ge [sflag:s4], $0x40  }
0x16: {  	[sflag:s4] =	ssyncset.done $0x0  }
0x17: {  	[sflag:s4] =	ssyncadd.s32 $0xFFFFFFC0  }
0x18: {  	[tilespmem:s7], [sflag:$0x1] =	stream.indirect.gather [hbm4b:s2+s6], $0x80, s3, s6, $0xb8;
	[tilespmem:$0x2080] =	vst v63  }
0x19: {  	_ =	swait.ge [sflag:s8], $0x2000  }
.Ltmp1:
0x1a: {  	[sflag:s8] =	ssyncset.done $0x0;
	(pc) =	sbr.rel @p0 .LBB2_1-.Ltmp1, $4  }
0x1b: {  	[sflag:s8] =	ssyncadd.s32 $0xFFFFE000  }
0x1c: {  	[hbm4b:s9+s10] =	stream.strided.scatter [tilespmem:s7], [sflag:$0x2], $0x2000, s11, s10, $0x38;
	[tilespmem:$0x2080] =	vst v63  }
0x1d: {  	_ =	swait.ge [sflag:s4], $0x2000  }
0x1e: {  	[sflag:s4] =	ssyncset.done $0x0  }
.LBB2_2:
0x1f: {  	[sflag:s4] =	ssyncadd.s32 $0xFFFFE000  }
0x20: {  	_ =	sfence.sel $0x180000  }
0x21: {  	[bflag:$0x0] =	sbarrier.arrive $0xFFFF  }
0x22: {  	p0 =	sne.s32 s1, $0x0;
	_ =	strace $0x90000047  }
0x23: {  	s0 =	sadd.s32 @!p0 $0x100000, s0;
	[bflag:$0x2] =	sbarrier.arrive $0xFFFF  }
0x24: {  	[sflag:s0] =	ssyncadd.tile.s32 @!p0 $0x1;
	_ =	shalt  }
.Lfunc_end2:
_tile_overlayer_lowered:
.L_overlay_start_2:
0x25: {  	(tag) =	ssettag $0x2  }
0x26: {  	s0 =	rddreg [dreg:$0x0];
	s2 =	stileid.u32  }
0x27: {  	s1 =	rddreg [dreg:$0x1];
	p0 =	sne.s32 s2, $0x0  }
0x28: {  	s3 =	rddreg [dreg:$0x2];
	[bflag:$0x3] =	sbarrier.arrive $0xFFFF;
	s2 =	simm.s32 @!p0 $0x1C02  }
0x29: {  	[timem:s3], [sflag:s2] =	dma.local @!p0 [hbm:s0], s1  }
0x2a: {  	s0 =	simm.s32 @!p0 $0x2  }
0x2b: {  	_ =	swait.ge @!p0 [sflag:s0], s1  }
0x2c: {  	s1 =	ssub.s32 @!p0 $0x0, s1;
	[sflag:s0] =	ssyncset.done @!p0 $0x0  }
0x2d: {  	[sflag:s0] =	ssyncadd.s32 @!p0 s1  }
0x2e: {  	[bflag:$0x3] =	sbarrier.arrive $0xFFFF  }
0x2f: {  	_ =	shalt  }

</sc_bundles>
